<compile_context>
chip_gen: v7x
topology: tpu7x:2x2x1
jax: 0.10.2.dev20260603
libtpu: 0.0.44.dev20260713+nightly
codegen_flags: <defaults>
</compile_context>

<pallas_src>
import functools
import jax
import jax.numpy as jnp
from jax import lax
from jax.experimental import pallas as pl
from jax.experimental.pallas import tpu as pltpu
from jax.experimental.pallas import tpu_sc as plsc

N_BOXES = 20000
NUM_CLASS = 3
N_PRE = 2048
N_POST = 500
THRESH = 0.7
ROWS = N_PRE // 128
OUT_ROWS = 512


def _tree(x, op, axis, size):
    s = 1
    while s < size:
        x = op(x, pltpu.roll(x, s, axis))
        s *= 2
    return x


def _nms_scan_body(planes_ref, packed_ref, out_ref):
    cx = planes_ref[0 * ROWS:1 * ROWS, :]
    cy = planes_ref[1 * ROWS:2 * ROWS, :]
    w = planes_ref[2 * ROWS:3 * ROWS, :]
    h = planes_ref[3 * ROWS:4 * ROWS, :]

    x1 = cx - 0.5 * w
    y1 = cy - 0.5 * h
    x2 = cx + 0.5 * w
    y2 = cy + 0.5 * h
    area = (x2 - x1) * (y2 - y1)

    row_i = jax.lax.broadcasted_iota(jnp.int32, (ROWS, 128), 0)
    col_i = jax.lax.broadcasted_iota(jnp.int32, (ROWS, 128), 1)
    iota2 = (row_i * 128 + col_i).astype(jnp.float32)
    lane128 = jax.lax.broadcasted_iota(jnp.int32, (1, 128), 1)

    def body(i, sup):
        cand = jnp.where(sup != 0, 2.0 * N_PRE, iota2)
        m = jnp.broadcast_to(jnp.min(cand, axis=1, keepdims=True), (ROWS, 128))
        minb = _tree(m, jnp.minimum, 0, ROWS)

        idxf = minb[0, 0]
        valid = idxf < float(N_PRE)
        idxc = jnp.minimum(idxf, float(N_PRE - 1)).astype(jnp.int32)
        cxs = packed_ref[0, idxc]
        cys = packed_ref[1, idxc]
        ws = packed_ref[2, idxc]
        hs = packed_ref[3, idxc]
        lbs = packed_ref[4, idxc]
        scs = packed_ref[5, idxc]
        x1s = cxs - 0.5 * ws
        y1s = cys - 0.5 * hs
        x2s = cxs + 0.5 * ws
        y2s = cys + 0.5 * hs
        area_s = (x2s - x1s) * (y2s - y1s)

        iw = jnp.clip(jnp.minimum(x2, x2s) - jnp.maximum(x1, x1s), 0.0, None)
        ih = jnp.clip(jnp.minimum(y2, y2s) - jnp.maximum(y1, y1s), 0.0, None)
        inter = iw * ih
        iou = inter / (area + area_s - inter + 1e-8)
        supn = jnp.where(valid, sup | (iou >= THRESH).astype(jnp.int32), sup)

        vf = jnp.where(valid, 1.0, 0.0)
        row = (jnp.where(lane128 == 0, cxs, 0.0)
               + jnp.where(lane128 == 1, cys, 0.0)
               + jnp.where(lane128 == 2, ws, 0.0)
               + jnp.where(lane128 == 3, hs, 0.0)
               + jnp.where(lane128 == 4, scs, 0.0)
               + jnp.where(lane128 == 5, lbs + 1.0, 0.0)) * vf
        out_ref[pl.ds(i, 1), :] = row[:, 0:8]
        return supn

    sup0 = jnp.zeros((ROWS, 128), dtype=jnp.int32)
    jax.lax.fori_loop(0, N_POST, body, sup0)


N_PAD = 20480
PER_W = N_PAD // 32
SC_LANES = 16


def _sc_head_body(c_hbm, sco_hbm, lab_hbm, v0, v1, v2, vs, vl):
    wid = lax.axis_index("s") * 2 + lax.axis_index("c")
    base = wid * PER_W
    pltpu.sync_copy(c_hbm.at[pl.ds(base, PER_W)], v0)
    pltpu.sync_copy(c_hbm.at[pl.ds(N_PAD + base, PER_W)], v1)
    pltpu.sync_copy(c_hbm.at[pl.ds(2 * N_PAD + base, PER_W)], v2)

    def step(i, _):
        s0 = v0[pl.ds(i * SC_LANES, SC_LANES)]
        s1 = v1[pl.ds(i * SC_LANES, SC_LANES)]
        s2 = v2[pl.ds(i * SC_LANES, SC_LANES)]
        m = jnp.maximum(jnp.maximum(s0, s1), s2)
        lab = jnp.where(s0 == m, 0.0, jnp.where(s1 == m, 1.0, 2.0))
        vs[pl.ds(i * SC_LANES, SC_LANES)] = m
        vl[pl.ds(i * SC_LANES, SC_LANES)] = lab
        return 0

    lax.fori_loop(0, PER_W // SC_LANES, step, 0)
    pltpu.sync_copy(vs, sco_hbm.at[pl.ds(base, PER_W)])
    pltpu.sync_copy(vl, lab_hbm.at[pl.ds(base, PER_W)])


_sc_head = functools.partial(
    pl.kernel,
    mesh=plsc.VectorSubcoreMesh(core_axis_name="c", subcore_axis_name="s"),
    out_type=[
        jax.ShapeDtypeStruct((N_PAD,), jnp.float32),
        jax.ShapeDtypeStruct((N_PAD,), jnp.float32),
    ],
    scratch_types=[
        pltpu.VMEM((PER_W,), jnp.float32),
        pltpu.VMEM((PER_W,), jnp.float32),
        pltpu.VMEM((PER_W,), jnp.float32),
        pltpu.VMEM((PER_W,), jnp.float32),
        pltpu.VMEM((PER_W,), jnp.float32),
    ],
)(_sc_head_body)


def kernel(boxes, cls_preds):
    cpt = jnp.pad(cls_preds, ((0, N_PAD - N_BOXES), (0, 0))).T.reshape(-1)
    scores_p, labels_p = _sc_head(cpt)
    scores = scores_p[:N_BOXES]
    _, top_idx = jax.lax.top_k(scores, N_PRE)
    comb = jnp.concatenate(
        [boxes, labels_p[:N_BOXES, None], scores[:, None]], axis=1)
    gt = comb[top_idx].T
    planes = gt[0:4].reshape(4 * ROWS, 128)

    out = pl.pallas_call(
        _nms_scan_body,
        in_specs=[
            pl.BlockSpec(memory_space=pltpu.VMEM),
            pl.BlockSpec(memory_space=pltpu.SMEM),
        ],
        out_shape=jax.ShapeDtypeStruct((OUT_ROWS, 8), jnp.float32),
    )(planes, gt)

    rois = out[:N_POST, 0:4]
    roi_scores = out[:N_POST, 4]
    roi_labels = out[:N_POST, 5].astype(jnp.int32)
    return rois, roi_scores, roi_labels

# --- scband reference (transcript-rebuilt; emitter-appended) ---
"""Pipeline reference for scband-to-ihead-template-10307921511153 (READ-ONLY COPY).

The authoritative reference and input builder live on the scoring server;
editing this copy changes nothing except your own understanding.
"""

import jax, jax.numpy as jnp
import numpy as np

N_BOXES = 20000
NUM_CLASS = 3
NMS_PRE_MAXSIZE = 2048
NMS_POST_MAXSIZE = 500
NMS_THRESH = 0.7


def setup_inputs(seed: int = 0):
    key = jax.random.key(seed)
    k1, k2, k3 = jax.random.split(key, 3)
    centers = jax.random.uniform(k1, (N_BOXES, 2), dtype=jnp.float32) * 100.0
    sizes = jax.random.uniform(k2, (N_BOXES, 2), dtype=jnp.float32) * 3.5 + 0.5
    boxes = jnp.concatenate([centers, sizes], axis=1)  # (cx, cy, w, h)
    cls_preds = jax.random.uniform(k3, (N_BOXES, NUM_CLASS), dtype=jnp.float32)
    return {"boxes": boxes, "cls_preds": cls_preds}


def _to_corners(boxes):
    cxy = boxes[:, 0:2]
    wh = boxes[:, 2:4]
    return jnp.concatenate([cxy - 0.5 * wh, cxy + 0.5 * wh], axis=1)


def _pairwise_iou(a, b):
    area_a = (a[:, 2] - a[:, 0]) * (a[:, 3] - a[:, 1])
    area_b = (b[:, 2] - b[:, 0]) * (b[:, 3] - b[:, 1])
    lt = jnp.maximum(a[:, None, 0:2], b[None, :, 0:2])
    rb = jnp.minimum(a[:, None, 2:4], b[None, :, 2:4])
    wh = jnp.clip(rb - lt, 0.0, None)
    inter = wh[..., 0] * wh[..., 1]
    union = area_a[:, None] + area_b[None, :] - inter
    return inter / (union + 1e-8)


def _class_agnostic_nms(boxes, scores):
    # pre-NMS top-k by score (mirrors NMS_PRE_MAXSIZE filtering)
    top_scores, top_idx = jax.lax.top_k(scores, NMS_PRE_MAXSIZE)
    b = boxes[top_idx]
    corners = _to_corners(b)
    iou = jax.lax.stop_gradient(_pairwise_iou(corners, corners))

    def body(i, state):
        suppressed, keep = state
        avail = jnp.logical_not(suppressed)
        idx = jnp.argmax(avail)  # first unsuppressed (sorted by score desc)
        valid = avail[idx]
        keep = keep.at[i].set(jnp.where(valid, idx.astype(jnp.int32), -1))
        sup_new = suppressed | (iou[idx] >= NMS_THRESH)
        sup_new = sup_new.at[idx].set(True)
        suppressed = jnp.where(valid, sup_new, suppressed)
        return suppressed, keep

    suppressed = jnp.zeros((NMS_PRE_MAXSIZE,), dtype=bool)
    keep = -jnp.ones((NMS_POST_MAXSIZE,), dtype=jnp.int32)
    suppressed, keep = jax.lax.fori_loop(0, NMS_POST_MAXSIZE, body, (suppressed, keep))
    return top_idx, top_scores, keep


def reference(boxes, cls_preds):
    # cur_roi_scores, cur_roi_labels = torch.max(cls_preds, dim=1)
    scores = jnp.max(cls_preds, axis=1)
    labels = jnp.argmax(cls_preds, axis=1)
    top_idx, top_scores, keep = _class_agnostic_nms(boxes, scores)
    mask = keep >= 0
    kc = jnp.maximum(keep, 0)
    rois = boxes[top_idx][kc] * mask[:, None].astype(boxes.dtype)
    roi_scores = top_scores[kc] * mask.astype(boxes.dtype)
    roi_labels = jnp.where(mask, labels[top_idx][kc] + 1, 0)  # roi_labels + 1
    return rois, roi_scores, roi_labels

if __name__ == "__main__":
    import jax
    _d = setup_inputs()
    print(jax.jit(kernel)(*tuple(_d.values())))

</pallas_src>

<mosaic_0001>
#map = affine_map<(d0, d1) -> (0)>
module attributes {stable_mosaic.version = 14 : i64} {
  func.func @_sc_head_body(%arg0: i32, %arg1: i32, %arg2: memref<61440xf32, #tpu.memory_space<hbm>>, %arg3: memref<20480xf32, #tpu.memory_space<hbm>>, %arg4: memref<20480xf32, #tpu.memory_space<hbm>>, %arg5: memref<640xf32, #tpu.memory_space<vmem>>, %arg6: memref<640xf32, #tpu.memory_space<vmem>>, %arg7: memref<640xf32, #tpu.memory_space<vmem>>, %arg8: memref<640xf32, #tpu.memory_space<vmem>>, %arg9: memref<640xf32, #tpu.memory_space<vmem>>) attributes {dimension_semantics = [#tpu.dimension_semantics<core_parallel>, #tpu.dimension_semantics<subcore_parallel>], iteration_bounds = array<i64: 2, 16>, scalar_prefetch = 0 : i64, scratch_operands = 5 : i64, tpu.core_type = #tpu.core_type<sc_vector_subcore>, window_params = [{transform_indices = #map}, {transform_indices = #map}, {transform_indices = #map}]} {
    %mul3A = arith.constant 2 : i32
    %mul3A_0 = arith.muli %arg1, %mul3A : i32
    %add3A = arith.addi %mul3A_0, %arg0 : i32
    %mul3A_1 = arith.constant 640 : i32
    %mul3A_2 = arith.muli %add3A, %mul3A_1 : i32
    "tpu.region"() ({
      %run_scoped3A = tpu.sem_alloc : memref<!tpu.dma_semaphore, #tpu.memory_space<semaphore_mem>>
      %dma_start3A = tpu.memref_slice %arg2[%mul3A_2] : memref<61440xf32, #tpu.memory_space<hbm>> -> memref<640xf32, #tpu.memory_space<hbm>>
      %dma_start3A_13 = tpu.memref_slice %arg2[%mul3A_2] : memref<61440xf32, #tpu.memory_space<hbm>> -> memref<640xf32, #tpu.memory_space<hbm>>
      tpu.enqueue_dma source(%dma_start3A_13 : memref<640xf32, #tpu.memory_space<hbm>>) target(%arg5 : memref<640xf32, #tpu.memory_space<vmem>>) target_semaphore(%run_scoped3A : memref<!tpu.dma_semaphore, #tpu.memory_space<semaphore_mem>>)
      %dma_wait3A = tpu.memref_slice %arg2[%mul3A_2] : memref<61440xf32, #tpu.memory_space<hbm>> -> memref<640xf32, #tpu.memory_space<hbm>>
      %dma_wait3A_14 = tpu.memref_slice %arg2[%mul3A_2] : memref<61440xf32, #tpu.memory_space<hbm>> -> memref<640xf32, #tpu.memory_space<hbm>>
      tpu.wait_dma2 semaphore(%run_scoped3A : memref<!tpu.dma_semaphore, #tpu.memory_space<semaphore_mem>>) src(%dma_wait3A_14 : memref<640xf32, #tpu.memory_space<hbm>>) dst(%arg5 : memref<640xf32, #tpu.memory_space<vmem>>)
      tpu.yield
    }) : () -> ()
    %add3A_3 = arith.constant 20480 : i32
    %add3A_4 = arith.addi %add3A_3, %mul3A_2 : i32
    "tpu.region"() ({
      %run_scoped3A = tpu.sem_alloc : memref<!tpu.dma_semaphore, #tpu.memory_space<semaphore_mem>>
      %dma_start3A = tpu.memref_slice %arg2[%add3A_4] : memref<61440xf32, #tpu.memory_space<hbm>> -> memref<640xf32, #tpu.memory_space<hbm>>
      %dma_start3A_13 = tpu.memref_slice %arg2[%add3A_4] : memref<61440xf32, #tpu.memory_space<hbm>> -> memref<640xf32, #tpu.memory_space<hbm>>
      tpu.enqueue_dma source(%dma_start3A_13 : memref<640xf32, #tpu.memory_space<hbm>>) target(%arg6 : memref<640xf32, #tpu.memory_space<vmem>>) target_semaphore(%run_scoped3A : memref<!tpu.dma_semaphore, #tpu.memory_space<semaphore_mem>>)
      %dma_wait3A = tpu.memref_slice %arg2[%add3A_4] : memref<61440xf32, #tpu.memory_space<hbm>> -> memref<640xf32, #tpu.memory_space<hbm>>
      %dma_wait3A_14 = tpu.memref_slice %arg2[%add3A_4] : memref<61440xf32, #tpu.memory_space<hbm>> -> memref<640xf32, #tpu.memory_space<hbm>>
      tpu.wait_dma2 semaphore(%run_scoped3A : memref<!tpu.dma_semaphore, #tpu.memory_space<semaphore_mem>>) src(%dma_wait3A_14 : memref<640xf32, #tpu.memory_space<hbm>>) dst(%arg6 : memref<640xf32, #tpu.memory_space<vmem>>)
      tpu.yield
    }) : () -> ()
    %add3A_5 = arith.constant 40960 : i32
    %add3A_6 = arith.addi %add3A_5, %mul3A_2 : i32
    "tpu.region"() ({
      %run_scoped3A = tpu.sem_alloc : memref<!tpu.dma_semaphore, #tpu.memory_space<semaphore_mem>>
      %dma_start3A = tpu.memref_slice %arg2[%add3A_6] : memref<61440xf32, #tpu.memory_space<hbm>> -> memref<640xf32, #tpu.memory_space<hbm>>
      %dma_start3A_13 = tpu.memref_slice %arg2[%add3A_6] : memref<61440xf32, #tpu.memory_space<hbm>> -> memref<640xf32, #tpu.memory_space<hbm>>
      tpu.enqueue_dma source(%dma_start3A_13 : memref<640xf32, #tpu.memory_space<hbm>>) target(%arg7 : memref<640xf32, #tpu.memory_space<vmem>>) target_semaphore(%run_scoped3A : memref<!tpu.dma_semaphore, #tpu.memory_space<semaphore_mem>>)
      %dma_wait3A = tpu.memref_slice %arg2[%add3A_6] : memref<61440xf32, #tpu.memory_space<hbm>> -> memref<640xf32, #tpu.memory_space<hbm>>
      %dma_wait3A_14 = tpu.memref_slice %arg2[%add3A_6] : memref<61440xf32, #tpu.memory_space<hbm>> -> memref<640xf32, #tpu.memory_space<hbm>>
      tpu.wait_dma2 semaphore(%run_scoped3A : memref<!tpu.dma_semaphore, #tpu.memory_space<semaphore_mem>>) src(%dma_wait3A_14 : memref<640xf32, #tpu.memory_space<hbm>>) dst(%arg7 : memref<640xf32, #tpu.memory_space<vmem>>)
      tpu.yield
    }) : () -> ()
    %scan3A = arith.constant 0 : i32
    %scan3A_7 = arith.constant 0 : i32
    %scan3A_8 = arith.constant 40 : i32
    %scan3A_9 = arith.addi %scan3A_7, %scan3A_8 : i32
    %scan3A_10 = arith.constant 1 : i32
    %scan3A_11 = scf.for %scan3A_13 = %scan3A_7 to %scan3A_9 step %scan3A_10 iter_args(%scan3A_14 = %scan3A) -> (i32)  : i32 {
      %mul3A_15 = arith.constant 16 : i32
      %mul3A_16 = arith.muli %scan3A_13, %mul3A_15 : i32
      %get3A = arith.index_cast %mul3A_16 : i32 to index
      %get3A_17 = tpu.vector_load %arg5[%get3A] {strides = array<i32>} : memref<640xf32, #tpu.memory_space<vmem>>, vector<16xf32>,
      %get3A_18 = vector.shape_cast %get3A_17 : vector<16xf32> to vector<16xf32>
      %mul3A_19 = arith.constant 16 : i32
      %mul3A_20 = arith.muli %scan3A_13, %mul3A_19 : i32
      %get3A_21 = arith.index_cast %mul3A_20 : i32 to index
      %get3A_22 = tpu.vector_load %arg6[%get3A_21] {strides = array<i32>} : memref<640xf32, #tpu.memory_space<vmem>>, vector<16xf32>,
      %get3A_23 = vector.shape_cast %get3A_22 : vector<16xf32> to vector<16xf32>
      %mul3A_24 = arith.constant 16 : i32
      %mul3A_25 = arith.muli %scan3A_13, %mul3A_24 : i32
      %get3A_26 = arith.index_cast %mul3A_25 : i32 to index
      %get3A_27 = tpu.vector_load %arg7[%get3A_26] {strides = array<i32>} : memref<640xf32, #tpu.memory_space<vmem>>, vector<16xf32>,
      %get3A_28 = vector.shape_cast %get3A_27 : vector<16xf32> to vector<16xf32>
      %max3A = arith.maximumf %get3A_18, %get3A_23 : vector<16xf32>
      %max3A_29 = arith.maximumf %max3A, %get3A_28 : vector<16xf32>
      %eq3A = arith.cmpf oeq, %get3A_18, %max3A_29 : vector<16xf32>
      %eq3A_30 = arith.cmpf oeq, %get3A_23, %max3A_29 : vector<16xf32>
      %jit3A = arith.constant 1.000000e+00 : f32
      %jit3A_31 = arith.constant 2.000000e+00 : f32
      %broadcast_in_dim3A = vector.broadcast %jit3A : f32 to vector<16xf32>
      %broadcast_in_dim3A_32 = vector.broadcast %jit3A_31 : f32 to vector<16xf32>
      %select_n3A = arith.select %eq3A_30, %broadcast_in_dim3A, %broadcast_in_dim3A_32 : vector<16xi1>, vector<16xf32>
      %jit3A_33 = arith.constant 0.000000e+00 : f32
      %broadcast_in_dim3A_34 = vector.broadcast %jit3A_33 : f32 to vector<16xf32>
      %select_n3A_35 = arith.select %eq3A, %broadcast_in_dim3A_34, %select_n3A : vector<16xi1>, vector<16xf32>
      %mul3A_36 = arith.constant 16 : i32
      %mul3A_37 = arith.muli %scan3A_13, %mul3A_36 : i32
      %swap3A = arith.index_cast %mul3A_37 : i32 to index
      %swap3A_38 = tpu.vector_load %arg8[%swap3A] {strides = array<i32>} : memref<640xf32, #tpu.memory_space<vmem>>, vector<16xf32>,
      %swap3A_39 = vector.shape_cast %swap3A_38 : vector<16xf32> to vector<16xf32>
      %swap3A_40 = vector.shape_cast %max3A_29 : vector<16xf32> to vector<16xf32>
      tpu.vector_store %arg8[%swap3A], %swap3A_40 {strides = array<i32>} : memref<640xf32, #tpu.memory_space<vmem>>, vector<16xf32>,
      %mul3A_41 = arith.constant 16 : i32
      %mul3A_42 = arith.muli %scan3A_13, %mul3A_41 : i32
      %swap3A_43 = arith.index_cast %mul3A_42 : i32 to index
      %swap3A_44 = tpu.vector_load %arg9[%swap3A_43] {strides = array<i32>} : memref<640xf32, #tpu.memory_space<vmem>>, vector<16xf32>,
      %swap3A_45 = vector.shape_cast %swap3A_44 : vector<16xf32> to vector<16xf32>
      %swap3A_46 = vector.shape_cast %select_n3A_35 : vector<16xf32> to vector<16xf32>
      tpu.vector_store %arg9[%swap3A_43], %swap3A_46 {strides = array<i32>} : memref<640xf32, #tpu.memory_space<vmem>>, vector<16xf32>,
      %scan3A_47 = arith.constant 0 : i32
      scf.yield %scan3A_47 : i32
    }
    %scan3A_12 = arith.constant 40 : i32
    "tpu.region"() ({
      %run_scoped3A = tpu.sem_alloc : memref<!tpu.dma_semaphore, #tpu.memory_space<semaphore_mem>>
      %dma_start3A = tpu.memref_slice %arg3[%mul3A_2] : memref<20480xf32, #tpu.memory_space<hbm>> -> memref<640xf32, #tpu.memory_space<hbm>>
      %dma_start3A_13 = tpu.memref_slice %arg3[%mul3A_2] : memref<20480xf32, #tpu.memory_space<hbm>> -> memref<640xf32, #tpu.memory_space<hbm>>
      tpu.enqueue_dma source(%arg8 : memref<640xf32, #tpu.memory_space<vmem>>) target(%dma_start3A_13 : memref<640xf32, #tpu.memory_space<hbm>>) target_semaphore(%run_scoped3A : memref<!tpu.dma_semaphore, #tpu.memory_space<semaphore_mem>>)
      %dma_wait3A = tpu.memref_slice %arg3[%mul3A_2] : memref<20480xf32, #tpu.memory_space<hbm>> -> memref<640xf32, #tpu.memory_space<hbm>>
      %dma_wait3A_14 = tpu.memref_slice %arg3[%mul3A_2] : memref<20480xf32, #tpu.memory_space<hbm>> -> memref<640xf32, #tpu.memory_space<hbm>>
      tpu.wait_dma2 semaphore(%run_scoped3A : memref<!tpu.dma_semaphore, #tpu.memory_space<semaphore_mem>>) src(%arg8 : memref<640xf32, #tpu.memory_space<vmem>>) dst(%dma_wait3A_14 : memref<640xf32, #tpu.memory_space<hbm>>)
      tpu.yield
    }) : () -> ()
    "tpu.region"() ({
      %run_scoped3A = tpu.sem_alloc : memref<!tpu.dma_semaphore, #tpu.memory_space<semaphore_mem>>
      %dma_start3A = tpu.memref_slice %arg4[%mul3A_2] : memref<20480xf32, #tpu.memory_space<hbm>> -> memref<640xf32, #tpu.memory_space<hbm>>
      %dma_start3A_13 = tpu.memref_slice %arg4[%mul3A_2] : memref<20480xf32, #tpu.memory_space<hbm>> -> memref<640xf32, #tpu.memory_space<hbm>>
      tpu.enqueue_dma source(%arg9 : memref<640xf32, #tpu.memory_space<vmem>>) target(%dma_start3A_13 : memref<640xf32, #tpu.memory_space<hbm>>) target_semaphore(%run_scoped3A : memref<!tpu.dma_semaphore, #tpu.memory_space<semaphore_mem>>)
      %dma_wait3A = tpu.memref_slice %arg4[%mul3A_2] : memref<20480xf32, #tpu.memory_space<hbm>> -> memref<640xf32, #tpu.memory_space<hbm>>
      %dma_wait3A_14 = tpu.memref_slice %arg4[%mul3A_2] : memref<20480xf32, #tpu.memory_space<hbm>> -> memref<640xf32, #tpu.memory_space<hbm>>
      tpu.wait_dma2 semaphore(%run_scoped3A : memref<!tpu.dma_semaphore, #tpu.memory_space<semaphore_mem>>) src(%arg9 : memref<640xf32, #tpu.memory_space<vmem>>) dst(%dma_wait3A_14 : memref<640xf32, #tpu.memory_space<hbm>>)
      tpu.yield
    }) : () -> ()
    return
  }
}

module attributes {stable_mosaic.version = 14 : i64} {
  func.func @_nms_scan_body(%arg0: memref<64x128xf32, #tpu.memory_space<vmem>>, %arg1: memref<6x2048xf32, #tpu.memory_space<smem>>, %arg2: memref<512x8xf32, #tpu.memory_space<vmem>>) attributes {dimension_semantics = [], scalar_prefetch = 0 : i64, scratch_operands = 0 : i64, tpu.core_type = #tpu.core_type<tc>} {
    %get3A = arith.constant 0 : index
    %get3A_0 = arith.constant 0 : index
    %get3A_1 = vector.load %arg0[%get3A, %get3A_0] : memref<64x128xf32, #tpu.memory_space<vmem>>, vector<16x128xf32>
    %get3A_2 = arith.constant 16 : index
    %get3A_3 = arith.constant 0 : index
    %get3A_4 = vector.load %arg0[%get3A_2, %get3A_3] : memref<64x128xf32, #tpu.memory_space<vmem>>, vector<16x128xf32>
    %get3A_5 = arith.constant 32 : index
    %get3A_6 = arith.constant 0 : index
    %get3A_7 = vector.load %arg0[%get3A_5, %get3A_6] : memref<64x128xf32, #tpu.memory_space<vmem>>, vector<16x128xf32>
    %get3A_8 = arith.constant 48 : index
    %get3A_9 = arith.constant 0 : index
    %get3A_10 = vector.load %arg0[%get3A_8, %get3A_9] : memref<64x128xf32, #tpu.memory_space<vmem>>, vector<16x128xf32>
    %mul3A = arith.constant 5.000000e-01 : f32
    %mul3A_11 = vector.broadcast %mul3A : f32 to vector<16x128xf32>
    %mul3A_12 = arith.mulf %mul3A_11, %get3A_7 : vector<16x128xf32>
    %sub3A = arith.subf %get3A_1, %mul3A_12 : vector<16x128xf32>
    %mul3A_13 = arith.constant 5.000000e-01 : f32
    %mul3A_14 = vector.broadcast %mul3A_13 : f32 to vector<16x128xf32>
    %mul3A_15 = arith.mulf %mul3A_14, %get3A_10 : vector<16x128xf32>
    %sub3A_16 = arith.subf %get3A_4, %mul3A_15 : vector<16x128xf32>
    %mul3A_17 = arith.constant 5.000000e-01 : f32
    %mul3A_18 = vector.broadcast %mul3A_17 : f32 to vector<16x128xf32>
    %mul3A_19 = arith.mulf %mul3A_18, %get3A_7 : vector<16x128xf32>
    %add3A = arith.addf %get3A_1, %mul3A_19 : vector<16x128xf32>
    %mul3A_20 = arith.constant 5.000000e-01 : f32
    %mul3A_21 = vector.broadcast %mul3A_20 : f32 to vector<16x128xf32>
    %mul3A_22 = arith.mulf %mul3A_21, %get3A_10 : vector<16x128xf32>
    %add3A_23 = arith.addf %get3A_4, %mul3A_22 : vector<16x128xf32>
    %sub3A_24 = arith.subf %add3A, %sub3A : vector<16x128xf32>
    %sub3A_25 = arith.subf %add3A_23, %sub3A_16 : vector<16x128xf32>
    %mul3A_26 = arith.mulf %sub3A_24, %sub3A_25 : vector<16x128xf32>
    %iota3A = tpu.iota {dimensions = array<i32: 0>} : vector<16x128xi32>
    %iota3A_27 = tpu.iota {dimensions = array<i32: 1>} : vector<16x128xi32>
    %mul3A_28 = arith.constant 128 : i32
    %mul3A_29 = vector.broadcast %mul3A_28 : i32 to vector<16x128xi32>
    %mul3A_30 = arith.muli %iota3A, %mul3A_29 : vector<16x128xi32>
    %add3A_31 = arith.addi %mul3A_30, %iota3A_27 : vector<16x128xi32>
    %convert_element_type3A = arith.sitofp %add3A_31 : vector<16x128xi32> to vector<16x128xf32>
    %iota3A_32 = tpu.iota {dimensions = array<i32: 1>} : vector<1x128xi32>
    %broadcast_in_dim3A = arith.constant 0 : i32
    %broadcast_in_dim3A_33 = vector.broadcast %broadcast_in_dim3A : i32 to vector<16x128xi32>
    %scan3A = arith.constant 0 : i32
    %scan3A_34 = arith.constant 500 : i32
    %scan3A_35 = arith.addi %scan3A, %scan3A_34 : i32
    %scan3A_36 = arith.constant 1 : i32
    %scan3A_37 = scf.for %scan3A_39 = %scan3A to %scan3A_35 step %scan3A_36 iter_args(%scan3A_40 = %broadcast_in_dim3A_33) -> (vector<16x128xi32>)  : i32 {
      %ne3A = arith.constant 0 : i32
      %ne3A_41 = vector.broadcast %ne3A : i32 to vector<16x128xi32>
      %ne3A_42 = arith.cmpi ne, %scan3A_40, %ne3A_41 : vector<16x128xi32>
      %jit3A = arith.constant 4.096000e+03 : f32
      %broadcast_in_dim3A_43 = vector.broadcast %jit3A : f32 to vector<16x128xf32>
      %select_n3A = arith.select %ne3A_42, %broadcast_in_dim3A_43, %convert_element_type3A : vector<16x128xi1>, vector<16x128xf32>
      %reduce_min3A = arith.constant dense<0x7F800000> : vector<16xf32>
      %reduce_min3A_44 = vector.multi_reduction <minimumf>, %select_n3A, %reduce_min3A [1] : vector<16x128xf32> to vector<16xf32>
      %broadcast_in_dim3A_45 = vector.shape_cast %reduce_min3A_44 : vector<16xf32> to vector<16x1xf32>
      %broadcast_in_dim3A_46 = vector.shape_cast %broadcast_in_dim3A_45 : vector<16x1xf32> to vector<16x1xf32>
      %broadcast_in_dim3A_47 = vector.broadcast %broadcast_in_dim3A_46 : vector<16x1xf32> to vector<16x128xf32>
      %roll3A = arith.constant 1 : i32
      %roll3A_48 = tpu.dynamic_rotate %broadcast_in_dim3A_47 by %roll3A dim 0 : vector<16x128xf32>, i32 -> vector<16x128xf32>
      %min3A = arith.minimumf %broadcast_in_dim3A_47, %roll3A_48 : vector<16x128xf32>
      %roll3A_49 = arith.constant 2 : i32
      %roll3A_50 = tpu.dynamic_rotate %min3A by %roll3A_49 dim 0 : vector<16x128xf32>, i32 -> vector<16x128xf32>
      %min3A_51 = arith.minimumf %min3A, %roll3A_50 : vector<16x128xf32>
      %roll3A_52 = arith.constant 4 : i32
      %roll3A_53 = tpu.dynamic_rotate %min3A_51 by %roll3A_52 dim 0 : vector<16x128xf32>, i32 -> vector<16x128xf32>
      %min3A_54 = arith.minimumf %min3A_51, %roll3A_53 : vector<16x128xf32>
      %roll3A_55 = arith.constant 8 : i32
      %roll3A_56 = tpu.dynamic_rotate %min3A_54 by %roll3A_55 dim 0 : vector<16x128xf32>, i32 -> vector<16x128xf32>
      %min3A_57 = arith.minimumf %min3A_54, %roll3A_56 : vector<16x128xf32>
      %slice3A = vector.extract_strided_slice %min3A_57 {offsets = [0, 0], sizes = [1, 1], strides = [1, 1]} : vector<16x128xf32> to vector<1x1xf32>
      %squeeze3A = vector.extract %slice3A[0, 0] : f32 from vector<1x1xf32>
      %lt3A = arith.constant 2.048000e+03 : f32
      %lt3A_58 = arith.cmpf olt, %squeeze3A, %lt3A : f32
      %min3A_59 = arith.constant 2.047000e+03 : f32
      %min3A_60 = arith.minimumf %squeeze3A, %min3A_59 : f32
      %convert_element_type3A_61 = arith.fptosi %min3A_60 : f32 to i32
      %get3A_62 = arith.constant 0 : index
      %get3A_63 = arith.index_cast %convert_element_type3A_61 : i32 to index
      %get3A_64 = memref.load %arg1[%get3A_62, %get3A_63] : memref<6x2048xf32, #tpu.memory_space<smem>>
      %get3A_65 = arith.constant 1 : index
      %get3A_66 = arith.index_cast %convert_element_type3A_61 : i32 to index
      %get3A_67 = memref.load %arg1[%get3A_65, %get3A_66] : memref<6x2048xf32, #tpu.memory_space<smem>>
      %get3A_68 = arith.constant 2 : index
      %get3A_69 = arith.index_cast %convert_element_type3A_61 : i32 to index
      %get3A_70 = memref.load %arg1[%get3A_68, %get3A_69] : memref<6x2048xf32, #tpu.memory_space<smem>>
      %get3A_71 = arith.constant 3 : index
      %get3A_72 = arith.index_cast %convert_element_type3A_61 : i32 to index
      %get3A_73 = memref.load %arg1[%get3A_71, %get3A_72] : memref<6x2048xf32, #tpu.memory_space<smem>>
      %get3A_74 = arith.constant 4 : index
      %get3A_75 = arith.index_cast %convert_element_type3A_61 : i32 to index
      %get3A_76 = memref.load %arg1[%get3A_74, %get3A_75] : memref<6x2048xf32, #tpu.memory_space<smem>>
      %get3A_77 = arith.constant 5 : index
      %get3A_78 = arith.index_cast %convert_element_type3A_61 : i32 to index
      %get3A_79 = memref.load %arg1[%get3A_77, %get3A_78] : memref<6x2048xf32, #tpu.memory_space<smem>>
      %mul3A_80 = arith.constant 5.000000e-01 : f32
      %mul3A_81 = arith.mulf %mul3A_80, %get3A_70 : f32
      %sub3A_82 = arith.subf %get3A_64, %mul3A_81 : f32
      %mul3A_83 = arith.constant 5.000000e-01 : f32
      %mul3A_84 = arith.mulf %mul3A_83, %get3A_73 : f32
      %sub3A_85 = arith.subf %get3A_67, %mul3A_84 : f32
      %mul3A_86 = arith.constant 5.000000e-01 : f32
      %mul3A_87 = arith.mulf %mul3A_86, %get3A_70 : f32
      %add3A_88 = arith.addf %get3A_64, %mul3A_87 : f32
      %mul3A_89 = arith.constant 5.000000e-01 : f32
      %mul3A_90 = arith.mulf %mul3A_89, %get3A_73 : f32
      %add3A_91 = arith.addf %get3A_67, %mul3A_90 : f32
      %sub3A_92 = arith.subf %add3A_88, %sub3A_82 : f32
      %sub3A_93 = arith.subf %add3A_91, %sub3A_85 : f32
      %mul3A_94 = arith.mulf %sub3A_92, %sub3A_93 : f32
      %min3A_95 = vector.broadcast %add3A_88 : f32 to vector<16x128xf32>
      %min3A_96 = arith.minimumf %add3A, %min3A_95 : vector<16x128xf32>
      %max3A = vector.broadcast %sub3A_82 : f32 to vector<16x128xf32>
      %max3A_97 = arith.maximumf %sub3A, %max3A : vector<16x128xf32>
      %sub3A_98 = arith.subf %min3A_96, %max3A_97 : vector<16x128xf32>
      %jit3A_99 = arith.constant 0.000000e+00 : f32
      %max3A_100 = vector.broadcast %jit3A_99 : f32 to vector<16x128xf32>
      %max3A_101 = arith.maximumf %max3A_100, %sub3A_98 : vector<16x128xf32>
      %min3A_102 = vector.broadcast %add3A_91 : f32 to vector<16x128xf32>
      %min3A_103 = arith.minimumf %add3A_23, %min3A_102 : vector<16x128xf32>
      %max3A_104 = vector.broadcast %sub3A_85 : f32 to vector<16x128xf32>
      %max3A_105 = arith.maximumf %sub3A_16, %max3A_104 : vector<16x128xf32>
      %sub3A_106 = arith.subf %min3A_103, %max3A_105 : vector<16x128xf32>
      %jit3A_107 = arith.constant 0.000000e+00 : f32
      %max3A_108 = vector.broadcast %jit3A_107 : f32 to vector<16x128xf32>
      %max3A_109 = arith.maximumf %max3A_108, %sub3A_106 : vector<16x128xf32>
      %mul3A_110 = arith.mulf %max3A_101, %max3A_109 : vector<16x128xf32>
      %add3A_111 = vector.broadcast %mul3A_94 : f32 to vector<16x128xf32>
      %add3A_112 = arith.addf %mul3A_26, %add3A_111 : vector<16x128xf32>
      %sub3A_113 = arith.subf %add3A_112, %mul3A_110 : vector<16x128xf32>
      %add3A_114 = arith.constant 9.99999993E-9 : f32
      %add3A_115 = vector.broadcast %add3A_114 : f32 to vector<16x128xf32>
      %add3A_116 = arith.addf %sub3A_113, %add3A_115 : vector<16x128xf32>
      %div3A = arith.divf %mul3A_110, %add3A_116 : vector<16x128xf32>
      %ge3A = arith.constant 0.699999988 : f32
      %ge3A_117 = vector.broadcast %ge3A : f32 to vector<16x128xf32>
      %ge3A_118 = arith.cmpf oge, %div3A, %ge3A_117 : vector<16x128xf32>
      %convert_element_type3A_119 = arith.extui %ge3A_118 : vector<16x128xi1> to vector<16x128xi32>
      %or3A = arith.ori %scan3A_40, %convert_element_type3A_119 : vector<16x128xi32>
      %select_n3A_120 = arith.select %lt3A_58, %or3A, %scan3A_40 : vector<16x128xi32>
      %jit3A_121 = arith.constant 1.000000e+00 : f32
      %jit3A_122 = arith.constant 0.000000e+00 : f32
      %select_n3A_123 = arith.select %lt3A_58, %jit3A_121, %jit3A_122 : f32
      %eq3A = arith.constant 0 : i32
      %eq3A_124 = vector.broadcast %eq3A : i32 to vector<1x128xi32>
      %eq3A_125 = arith.cmpi eq, %iota3A_32, %eq3A_124 : vector<1x128xi32>
      %jit3A_126 = arith.constant 0.000000e+00 : f32
      %broadcast_in_dim3A_127 = vector.broadcast %get3A_64 : f32 to vector<1x128xf32>
      %broadcast_in_dim3A_128 = vector.broadcast %jit3A_126 : f32 to vector<1x128xf32>
      %select_n3A_129 = arith.select %eq3A_125, %broadcast_in_dim3A_127, %broadcast_in_dim3A_128 : vector<1x128xi1>, vector<1x128xf32>
      %eq3A_130 = arith.constant 1 : i32
      %eq3A_131 = vector.broadcast %eq3A_130 : i32 to vector<1x128xi32>
      %eq3A_132 = arith.cmpi eq, %iota3A_32, %eq3A_131 : vector<1x128xi32>
      %jit3A_133 = arith.constant 0.000000e+00 : f32
      %broadcast_in_dim3A_134 = vector.broadcast %get3A_67 : f32 to vector<1x128xf32>
      %broadcast_in_dim3A_135 = vector.broadcast %jit3A_133 : f32 to vector<1x128xf32>
      %select_n3A_136 = arith.select %eq3A_132, %broadcast_in_dim3A_134, %broadcast_in_dim3A_135 : vector<1x128xi1>, vector<1x128xf32>
      %add3A_137 = arith.addf %select_n3A_129, %select_n3A_136 : vector<1x128xf32>
      %eq3A_138 = arith.constant 2 : i32
      %eq3A_139 = vector.broadcast %eq3A_138 : i32 to vector<1x128xi32>
      %eq3A_140 = arith.cmpi eq, %iota3A_32, %eq3A_139 : vector<1x128xi32>
      %jit3A_141 = arith.constant 0.000000e+00 : f32
      %broadcast_in_dim3A_142 = vector.broadcast %get3A_70 : f32 to vector<1x128xf32>
      %broadcast_in_dim3A_143 = vector.broadcast %jit3A_141 : f32 to vector<1x128xf32>
      %select_n3A_144 = arith.select %eq3A_140, %broadcast_in_dim3A_142, %broadcast_in_dim3A_143 : vector<1x128xi1>, vector<1x128xf32>
      %add3A_145 = arith.addf %add3A_137, %select_n3A_144 : vector<1x128xf32>
      %eq3A_146 = arith.constant 3 : i32
      %eq3A_147 = vector.broadcast %eq3A_146 : i32 to vector<1x128xi32>
      %eq3A_148 = arith.cmpi eq, %iota3A_32, %eq3A_147 : vector<1x128xi32>
      %jit3A_149 = arith.constant 0.000000e+00 : f32
      %broadcast_in_dim3A_150 = vector.broadcast %get3A_73 : f32 to vector<1x128xf32>
      %broadcast_in_dim3A_151 = vector.broadcast %jit3A_149 : f32 to vector<1x128xf32>
      %select_n3A_152 = arith.select %eq3A_148, %broadcast_in_dim3A_150, %broadcast_in_dim3A_151 : vector<1x128xi1>, vector<1x128xf32>
      %add3A_153 = arith.addf %add3A_145, %select_n3A_152 : vector<1x128xf32>
      %eq3A_154 = arith.constant 4 : i32
      %eq3A_155 = vector.broadcast %eq3A_154 : i32 to vector<1x128xi32>
      %eq3A_156 = arith.cmpi eq, %iota3A_32, %eq3A_155 : vector<1x128xi32>
      %jit3A_157 = arith.constant 0.000000e+00 : f32
      %broadcast_in_dim3A_158 = vector.broadcast %get3A_79 : f32 to vector<1x128xf32>
      %broadcast_in_dim3A_159 = vector.broadcast %jit3A_157 : f32 to vector<1x128xf32>
      %select_n3A_160 = arith.select %eq3A_156, %broadcast_in_dim3A_158, %broadcast_in_dim3A_159 : vector<1x128xi1>, vector<1x128xf32>
      %add3A_161 = arith.addf %add3A_153, %select_n3A_160 : vector<1x128xf32>
      %eq3A_162 = arith.constant 5 : i32
      %eq3A_163 = vector.broadcast %eq3A_162 : i32 to vector<1x128xi32>
      %eq3A_164 = arith.cmpi eq, %iota3A_32, %eq3A_163 : vector<1x128xi32>
      %add3A_165 = arith.constant 1.000000e+00 : f32
      %add3A_166 = arith.addf %get3A_76, %add3A_165 : f32
      %jit3A_167 = arith.constant 0.000000e+00 : f32
      %broadcast_in_dim3A_168 = vector.broadcast %add3A_166 : f32 to vector<1x128xf32>
      %broadcast_in_dim3A_169 = vector.broadcast %jit3A_167 : f32 to vector<1x128xf32>
      %select_n3A_170 = arith.select %eq3A_164, %broadcast_in_dim3A_168, %broadcast_in_dim3A_169 : vector<1x128xi1>, vector<1x128xf32>
      %add3A_171 = arith.addf %add3A_161, %select_n3A_170 : vector<1x128xf32>
      %mul3A_172 = vector.broadcast %select_n3A_123 : f32 to vector<1x128xf32>
      %mul3A_173 = arith.mulf %add3A_171, %mul3A_172 : vector<1x128xf32>
      %slice3A_174 = vector.extract_strided_slice %mul3A_173 {offsets = [0, 0], sizes = [1, 8], strides = [1, 1]} : vector<1x128xf32> to vector<1x8xf32>
      %swap3A = arith.index_cast %scan3A_39 : i32 to index
      %swap3A_175 = arith.constant 0 : index
      %swap3A_176 = vector.load %arg2[%swap3A, %swap3A_175] : memref<512x8xf32, #tpu.memory_space<vmem>>, vector<1x8xf32>
      tpu.vector_store %arg2[%swap3A, %swap3A_175], %slice3A_174 {strides = array<i32>} : memref<512x8xf32, #tpu.memory_space<vmem>>, vector<1x8xf32>,
      scf.yield %select_n3A_120 : vector<16x128xi32>
    }
    %scan3A_38 = arith.constant 500 : i32
    return
  }
}

</mosaic_0001>

<sc_bundles>
// kernel: gather_offload_async_start
scs
__scs_entry_jumppad:
0x0: {  	(pc) =	sbr.rel $0x88, $3  }
0x1: {  	(tag) =	ssettag $0x0;
	lr =	simm.s32 $0x1  }
0x2: {  	[smem:$0x3F9F] =	sst lr;
	_ =	strace $0xD0000000  }
0x3: {  	_ = 	snop  }
0x4: {  	_ = 	snop  }
0x5: {  	_ = 	snop  }
0x6: {  	_ = 	snop  }
0x7: {  	_ = 	snop  }
__scs_overlays_trampoline_lowered:
0x8: {  	[smem:$0x3FAE] =	sst s0  }
0x9: {  	[smem:$0x3FAF] =	sst s1  }
0xa: {  	[smem:$0x3FB0] =	sst s2  }
0xb: {  	[smem:$0x3FB1] =	sst s3  }
0xc: {  	[smem:$0x3FB2] =	sst s4  }
0xd: {  	[smem:$0x3FB3] =	sst s5  }
0xe: {  	[smem:$0x3FB4] =	sst s6  }
0xf: {  	[smem:$0x3FB5] =	sst s7  }
0x10: {  	[smem:$0x3FB6] =	sst s8  }
0x11: {  	[smem:$0x3FB7] =	sst s9;
	s0 =	simm.s32 @!p0 $0x0  }
0x12: {  	s1 =	sld [smem:$0x3F9D];
	s0 =	simm.s32 @p0 $0x1  }
0x13: {  	[smem:$0x3FB8] =	sst s0;
	s0 =	simm.s32 @!p1 $0x0  }
0x14: {  	s2 =	sld [smem:$0x3F9C];
	s0 =	simm.s32 @p1 $0x1  }
0x15: {  	[smem:$0x3FB9] =	sst s0;
	s0 =	simm.s32 @!p2 $0x0  }
0x16: {  	s3 =	sld [smem:$0x3FDB];
	s0 =	simm.s32 @p2 $0x1  }
0x17: {  	s4 =	simm.s32 $0x1BF5;
	[smem:$0x3FBB] =	sst s0  }
0x18: {  	s0 =	sld [smem:$0x3F9E];
	_ =	swait.ge [sflag:s4], $0x0  }
0x19: {  	s7 =	sld [smem:$0x3F9F]  }
0x1a: {  	s8 =	sadd.s32 $0xFFFFE003, lr  }
0x1b: {  	s9 =	sadd.s32 $0xFFFFFEF7, lr;
	s5 =	simm.s32 $0xFFFFFFFF;
	p2 =	slt.u32 s8, $0xFFFFF086  }
0x1c: {  	p1 =	slt.u32 s9, $0xF7A;
	s5 =	simm.s32 @!p2 $0x0  }
0x1d: {  	s5 =	simm.s32 @p1 $0x1;
	p0 =	seq.s32 s7, s2  }
0x1e: {  	s7 =	smul.u32 @!p0 $0xF7A, s2;
	p2 =	seq.s32 @!p0 s5, $0x0  }
0x1f: {  	s9 =	smul.u32 $0xF7A, s1;
	s8 =	simm.s32 @!p0 $0x1BF5;
	p2 =	por !p2, p0  }
0x20: {  	[sflag:s8] =	ssyncset.s32 @!p0 $0xFFFFF086;
	s6 =	sadd.s32 @!p0 s3, s7;
	s7 =	simm.s32 @!p0 $0x108  }
0x21: {  	s3 =	sadd.s32 s3, s9;
	s6 =	sadd.s32 @!p0 $0x88, s6;
	s7 =	simm.s32 @p2 $0x1082  }
0x22: {  	[simem:s7], [sflag:s8] =	dma.local @!p0 [hbm:s6], $0xF7A  }
0x23: {  	s9 =	sor.u32 $0xD0000000, s2;
	s6 =	simm.s32 $0x108;
	_ =	swait.ge @!p0 [sflag:s8], $0x0  }
0x24: {  	s3 =	sadd.s32 $0x88, s3;
	s6 =	simm.s32 @!p1 $0x1082;
	[sflag:s4] =	ssyncset.s32 $0xFFFFF086  }
0x25: {  	[simem:s6], [sflag:s4] =	dma.local [hbm:s3], $0xF7A  }
0x26: {  	[smem:$0x3F9F] =	sst s1;
	(tag) =	ssettag s2;
	_ =	strace s9  }
0x27: {  	s1 =	sld [smem:$0x3FAF]  }
0x28: {  	s2 =	sld [smem:$0x3FB0]  }
0x29: {  	s4 =	sld [smem:$0x3FB2]  }
0x2a: {  	p0 =	seq.s32 s5, $0x0;
	s5 =	sld [smem:$0x3FB3]  }
0x2b: {  	s6 =	sld [smem:$0x3FB4]  }
0x2c: {  	s7 =	sld [smem:$0x3FB5]  }
0x2d: {  	s3 =	simm.s32 $0x108;
	s8 =	sld [smem:$0x3FB6]  }
0x2e: {  	s3 =	simm.s32 @!p0 $0x1082;
	s9 =	sld [smem:$0x3FB7]  }
0x2f: {  	lr =	sadd.s32 s0, s3;
	s0 =	sld [smem:$0x3FAE]  }
0x30: {  	s3 =	sld [smem:$0x3FB1]  }
0x31: {  	[smem:$0x3FBA] =	sst s10  }
0x32: {  	s10 =	sld [smem:$0x3FB8];
	_ =	sdelay $0x3  }
0x33: {  	p0 =	seq.s32 s10, $0x1;
	s10 =	sld [smem:$0x3FBA];
	_ =	sdelay $0x3  }
0x34: {  	[smem:$0x3FBA] =	sst s10  }
0x35: {  	s10 =	sld [smem:$0x3FB9];
	_ =	sdelay $0x3  }
0x36: {  	p1 =	seq.s32 s10, $0x1;
	s10 =	sld [smem:$0x3FBA];
	_ =	sdelay $0x3  }
0x37: {  	[smem:$0x3FBA] =	sst s10  }
0x38: {  	s10 =	sld [smem:$0x3FBB]  }
0x39: {  	_ = 	snop;
	(pc) =	sbr.ind lr, $3  }
0x3a: {  	_ = 	snop  }
0x3b: {  	_ = 	snop  }
0x3c: {  	p2 =	seq.s32 s10, $0x1;
	s10 =	sld [smem:$0x3FBA]  }
0x3d: {  	_ =	shalt  }
0x3e: {  	_ =	shalt  }
0x3f: {  	_ =	shalt  }
0x40: {  	_ =	shalt  }
0x41: {  	_ =	shalt  }
0x42: {  	_ =	shalt  }
0x43: {  	_ =	shalt  }
0x44: {  	_ =	shalt  }
0x45: {  	_ =	shalt  }
0x46: {  	_ =	shalt  }
0x47: {  	_ =	shalt  }
0x48: {  	_ =	shalt  }
0x49: {  	_ =	shalt  }
0x4a: {  	_ =	shalt  }
0x4b: {  	_ =	shalt  }
0x4c: {  	_ =	shalt  }
0x4d: {  	_ =	shalt  }
0x4e: {  	_ =	shalt  }
0x4f: {  	_ =	shalt  }
0x50: {  	_ =	shalt  }
0x51: {  	_ =	shalt  }
0x52: {  	_ =	shalt  }
0x53: {  	_ =	shalt  }
0x54: {  	_ =	shalt  }
0x55: {  	_ =	shalt  }
0x56: {  	_ =	shalt  }
0x57: {  	_ =	shalt  }
0x58: {  	_ =	shalt  }
0x59: {  	_ =	shalt  }
0x5a: {  	_ =	shalt  }
0x5b: {  	_ =	shalt  }
0x5c: {  	_ =	shalt  }
0x5d: {  	_ =	shalt  }
0x5e: {  	_ =	shalt  }
0x5f: {  	_ =	shalt  }
0x60: {  	_ =	shalt  }
0x61: {  	_ =	shalt  }
0x62: {  	_ =	shalt  }
0x63: {  	_ =	shalt  }
0x64: {  	_ =	shalt  }
0x65: {  	_ =	shalt  }
0x66: {  	_ =	shalt  }
0x67: {  	_ =	shalt  }
0x68: {  	_ =	shalt  }
0x69: {  	_ =	shalt  }
0x6a: {  	_ =	shalt  }
0x6b: {  	_ =	shalt  }
0x6c: {  	_ =	shalt  }
0x6d: {  	_ =	shalt  }
0x6e: {  	_ =	shalt  }
0x6f: {  	_ =	shalt  }
0x70: {  	_ =	shalt  }
0x71: {  	_ =	shalt  }
0x72: {  	_ =	shalt  }
0x73: {  	_ =	shalt  }
0x74: {  	_ =	shalt  }
0x75: {  	_ =	shalt  }
0x76: {  	_ =	shalt  }
0x77: {  	_ =	shalt  }
0x78: {  	_ =	shalt  }
0x79: {  	_ =	shalt  }
0x7a: {  	_ =	shalt  }
0x7b: {  	_ =	shalt  }
0x7c: {  	_ =	shalt  }
0x7d: {  	_ =	shalt  }
0x7e: {  	_ =	shalt  }
0x7f: {  	_ =	shalt  }
0x80: {  	_ =	shalt  }
0x81: {  	_ =	shalt  }
0x82: {  	_ =	shalt  }
0x83: {  	_ =	shalt  }
0x84: {  	_ =	shalt  }
0x85: {  	_ =	shalt  }
0x86: {  	_ =	shalt  }
0x87: {  	_ =	shalt  }
.Lfunc_end0:
.L_simem_size_0:
called_computation_lowered:
.L_overlay_start_0:
0x88: {  	s2 =	sld [smem:$0x3FD9]  }
0x89: {  	s3 =	sld [smem:$0x3FFE];
	_ =	sdelay $0x1  }
0x8a: {  	s1 =	srdreg.scid  }
0x8b: {  	s0 =	sand.u32 $0x1, s1  }
0x8c: {  	s14 =	sshll.u32 s0, $0xA;
	s2 =	sadd.s32 s3, s2  }
0x8d: {  	s2 =	sadd.s32 s2, s14  }
0x8e: {  	[smem:$0x3FC6] =	sst s2  }
0x8f: {  	_ = 	snop  }
0x90: {  	s2 =	sld [smem:$0x3FD0];
	_ =	sdelay $0x2  }
0x91: {  	s15 =	simm.s32 $0xA;
	s4 =	simm.s32 $0x10  }
0x92: {  	[smem:s4], [sflag:s15] =	dma.local [hbm:s2], $0x1  }
0x93: {  	_ =	swait.eq [sflag:s15], $0x1  }
0x94: {  	[sflag:s15] =	ssyncset.done $0x0  }
0x95: {  	[sflag:s15] =	ssyncadd.s32 $0xFFFFFFFF  }
0x96: {  	s16 =	sld [smem:$0x10];
	(tm) =	ssettm $0x1  }
0x97: {  	s17 =	sld [smem:$0x3FFB];
	_ =	sdelay $0x3  }
0x98: {  	_ =	strace s17  }
0x99: {  	s3 =	sld [smem:$0x3FFC];
	_ =	sdelay $0x3  }
0x9a: {  	_ =	strace s3  }
0x9b: {  	s3 =	sld [smem:$0x3FFD];
	_ =	sdelay $0x3  }
0x9c: {  	_ =	strace s3  }
0x9d: {  	_ =	strace $0x8FFFFFFF  }
0x9e: {  	s18 =	sld [smem:$0x3FDB];
	_ =	sdelay $0x1  }
0x9f: {  	s19 =	simm.s32 $_scs_section_size  }
0xa0: {  	s5 =	simm.s32 $_size__tile_overlayer_lowered;
	s6 =	simm.s32 $_tile_overlayer_lowered  }
0xa1: {  	s22 =	simm.s32 $0x1BFF;
	s21 =	sshll.u32 s6, $0x1;
	s3 =	sadd.s32 s19, s18  }
0xa2: {  	s7 =	simm.s32 $0x0;
	s20 =	sshll.u32 s5, $0x1;
	s5 =	sadd.s32 s21, s3  }
0xa3: {  	[timem:s7], [sflag:s22] =	dma.local [hbm:s5], s20  }
0xa4: {  	_ =	swait.ge [sflag:s22], s20  }
0xa5: {  	s4 =	ssub.s32 $0x0, s20;
	[sflag:s22] =	ssyncset.done $0x0  }
0xa6: {  	[sflag:s22] =	ssyncadd.s32 s4;
	_ =	sdelay $0x1  }
0xa7: {  	s23 =	simm.s32 $0x1B8B  }
0xa8: {  	_ =	swait.ge [sflag:s23], $0x1  }
0xa9: {  	[sflag:s23] =	ssyncset.done $0x0  }
0xaa: {  	s25 =	simm.s32 $0x1B8E;
	s24 =	sld [smem:$0x3FFE];
	[sflag:s23] =	ssyncadd.s32 $0xFFFFFFFF  }
0xab: {  	s26 =	simm.s32 $execute0_lowered;
	[smem:$0x3FD2] =	sst s25  }
0xac: {  	s5 =	sshll.u32 s26, $0x1;
	_ =	strace $0x80000049;
	[dreg:$0x1] =	wrdreg $0xFFFFFFFF  }
0xad: {  	s28 =	simm.s32 $_size_execute0_lowered;
	s3 =	sadd.s32 s3, s5;
	[dreg:$0x0] =	wrdreg $0x0  }
0xae: {  	s5 =	sshll.u32 s28, $0x1;
	[dreg:$0x2] =	wrdreg s3  }
0xaf: {  	[dreg:$0x3] =	wrdreg s5  }
0xb0: {  	[dreg:$0x4] =	wrdreg $0xC0  }
0xb1: {  	_ =	task [dreg:s7], $0x5FFFF  }
0xb2: {  	[dreg:$0x1] =	wrdreg $0xFFFFFFFF  }
0xb3: {  	[dreg:$0x0] =	wrdreg $0x60  }
0xb4: {  	[dreg:$0x2] =	wrdreg s24  }
0xb5: {  	[dreg:$0x3] =	wrdreg s16  }
0xb6: {  	[dreg:$0x4] =	wrdreg $0x9  }
0xb7: {  	_ =	task.clear_ibuf [dreg:s7], $0x5FFFF;
	_ =	strace $0x90000049  }
0xb8: {  	s29 =	simm.s32 $0x9;
	_ =	strace $0x8000004B  }
0xb9: {  	_ =	swait.ge [sflag:s29], $0x1  }
0xba: {  	[sflag:s29] =	ssyncadd.s32 $0xFFFFFFFF  }
0xbb: {  	_ =	strace $0x9000004B  }
0xbc: {  	_ =	sfence  }
0xbd: {  	s30 =	sld [smem:$0x0];
	_ =	sdelay $0x2  }
0xbe: {  	s31 =	sshll.u32 s1, $0xD;
	s1 =	sshrl.u32 s1, $0x2  }
0xbf: {  	s3 =	sand.u32 $0x4000, s31;
	s1 =	sadd.s32 s1, s30  }
0xc0: {  	s0 =	sor.u32 s3, s0;
	s1 =	sshll.u32 s1, $0x11  }
0xc1: {  	s0 =	sor.u32 s1, s0  }
0xc2: {  	s0 =	sadd.s32 $0x8F2B, s0  }
0xc3: {  	[sflag:s0] =	ssyncadd.remote.s32 $0x1  }
0xc4: {  	_ =	sfence.sel $0xFFFF  }
0xc5: {  	[dreg:$0x0] =	wrdreg $0xFFFFFFFF;
	(pc) =	sbr.abs _section_cstart, $3  }
0xc6: {  	[dreg:$0x1] =	wrdreg $0xFFFFFFFF  }
0xc7: {  	_ =	task.clear_ibuf [dreg:s7], $0x2FFFF;
	_ =	strace $0x9FFFFFFF  }
0xc8: {  	(tm) =	ssettm $0x7FFFFFFF  }
0xc9: {  	_ =	shalt  }
tec
execute0_lowered:
.L_overlay_start_1:
0x0: {  	(tag) =	ssettag $0x1  }
0x1: {  	s2 =	rddreg [dreg:$0x0]  }
0x2: {  	s3 =	rddreg [dreg:$0x1]  }
0x3: {  	s0 =	rddreg [dreg:$0x2];
	s1 =	srdreg.scid;
	_ =	strace $0x8000004A  }
0x4: {  	s4 =	simm.s32 $0x1;
	s9 =	simm.s32 $0x3;
	s5 =	sshll.u32 s1, $0x4  }
.Ltmp0:
0x5: {  	s1 =	stileid.u32;
	s5 =	sand.u32 $0x10, s5;
	(pc) =	sbr.rel .LBB2_1-.Ltmp0, $4  }
0x6: {  	s12 =	simm.s32 $0x0;
	s10 =	simm.s32 $0x0;
	s6 =	sor.u32 s1, s5  }
0x7: {  	[sflag:s4] =	ssyncpa.u1 $0x0;
	s5 =	simm.s32 $0x2;
	s6 =	sshll.u32 s6, $0x6  }
0x8: {  	s7 =	sadd.s32 $0x4E200, s2;
	[sflag:s5] =	ssyncpa.u1 $0x0;
	s8 =	sadd.s32 $0x40, s6  }
0x9: {  	vm0 =	vmmov $0xff;
	vm1 =	vcmask $0x3F20;
	[sflag:s9] =	ssyncpa.u1 $0x0;
	s9 =	simm.s32 $0x40;
	s11 =	smov.u32 s6  }
.LBB2_9:
0xa: {  	p0 =	seq.s32 s10, $0x2  }
.Ltmp1:
0xb: {  	_ = 	snop;
	(pc) =	sbr.rel @p0 .LBB2_11-.Ltmp1, $1  }
0xc: {  	_ =	sdelay $0x3  }
.LBB2_10:
0xd: {  	s12 =	sadd.s32 $0x40, s11  }
0xe: {  	s13 =	smov.u32 s6;
	p0 =	slt.s32 s12, s8  }
0xf: {  	s13 =	smov.u32 @p0 s12  }
0x10: {  	s10 =	sadd.s32 $0x1, s10;
	s12 =	smov.u32 s11;
	s11 =	smov.u32 s13  }
.LBB2_1:
0x11: {  	p0 =	sne.s32 s10, $0x0  }
.Ltmp2:
0x12: {  	_ = 	snop;
	(pc) =	sbr.rel @!p0 .LBB2_2-.Ltmp2, $1  }
0x13: {  	_ =	sdelay $0x3  }
0x14: {  	s13 =	sand.u32 $0x1, s10  }
0x15: {  	p0 =	seq.s32 s13, $0x0  }
.Ltmp3:
0x16: {  	_ = 	snop;
	(pc) =	sbr.rel @p0 .LBB2_9-.Ltmp3, $1  }
0x17: {  	_ =	sdelay $0x3  }
0x18: {  	_ =	swait.ge [sflag:s5], $0x40  }
0x19: {  	[sflag:s5] =	ssyncset.done $0x0  }
0x1a: {  	s13 =	simm.s32 $0x0;
	[sflag:s5] =	ssyncadd.s32 $0xFFFFFFC0  }
0x1b: {  	v0 =	vld.msk [tilespmem:s13+$0x40 ss:$0x1], $0xffff;
	_ =	sdelay $0x4  }
0x1c: {  	vm2 =	vgt.s32 v0, $0x0  }
0x1d: {  	v0 =	vnsel vm2, $0x0, v0  }
0x1e: {  	v0 =	vmin.u32 v0, $0x4E1F  }
0x1f: {  	v0 =	vshll.u32 v0, $0x4;
	_ =	sdelay $0x3  }
0x20: {  	s13 =	simm.s32 $0x2080  }
0x21: {  	[tilespmem:s13], [sflag:$0x1] =	stream.indirect_vreg.gather [hbm:s2], $0x80, v0, vm0, $0x38;
	[tilespmem:$0x4080] =	vst v63  }
0x22: {  	s14 =	simm.s32 $0x2480;
	s31 =	simm.s32 $0x10  }
0x23: {  	[tilespmem:s14], [sflag:$0x1] =	stream.indirect_vreg.gather [hbm:s2], $0x80, v0, vm1, $0x38;
	[tilespmem:$0x4080] =	vst v63  }
0x24: {  	s14 =	simm.s32 $0x80;
	v0 =	vld.msk [tilespmem:s31+$0x40 ss:$0x1], $0xffff  }
.LBB2_5:
0x25: {  	p0 =	sne.s32 s14, $0xC0;
	_ =	sdelay $0x4  }
0x26: {  	vm2 =	vgt.s32 v0, $0x0  }
0x27: {  	v0 =	vnsel vm2, $0x0, v0  }
0x28: {  	v0 =	vmin.u32 v0, $0x4E1F  }
0x29: {  	v0 =	vshll.u32 v0, $0x4;
	_ =	sdelay $0x3  }
.Ltmp4:
0x2a: {  	s13 =	sadd.s32 $0x800, s13;
	(pc) =	sbr.rel @p0 .LBB2_5-.Ltmp4, $4  }
0x2b: {  	[tilespmem:s13], [sflag:$0x1] =	stream.indirect_vreg.gather [hbm:s2], $0x80, v0, vm0, $0x38;
	[tilespmem:$0x4080] =	vst v63  }
0x2c: {  	s15 =	sshra.s32 s14, $0x2;
	s16 =	sadd.s32 $0x400, s13  }
0x2d: {  	[tilespmem:s16], [sflag:$0x1] =	stream.indirect_vreg.gather [hbm:s2], $0x80, v0, vm1, $0x38;
	[tilespmem:$0x4080] =	vst v63  }
0x2e: {  	s14 =	sadd.s32 $0x40, s14;
	v0 =	vld.msk [tilespmem:s15+$0x40 ss:$0x1], $0xffff  }
0x2f: {  	_ =	sdelay $0x3  }
0x30: {  	vm2 =	vgt.s32 v0, $0x0  }
0x31: {  	v0 =	vnsel vm2, $0x0, v0  }
0x32: {  	v0 =	vmin.u32 v0, $0x4E1F  }
0x33: {  	v0 =	vshll.u32 v0, $0x4;
	_ =	sdelay $0x3  }
0x34: {  	s13 =	sadd.s32 $0x800, s13  }
0x35: {  	[tilespmem:s13], [sflag:$0x1] =	stream.indirect_vreg.gather [hbm:s2], $0x80, v0, vm0, $0x38;
	[tilespmem:$0x4080] =	vst v63  }
0x36: {  	s13 =	sadd.s32 $0x400, s13  }
0x37: {  	[tilespmem:s13], [sflag:$0x1] =	stream.indirect_vreg.gather [hbm:s2], $0x80, v0, vm1, $0x38;
	[tilespmem:$0x4080] =	vst v63  }
0x38: {  	s12 =	sshll.u32 s12, $0x4;
	s14 =	simm.s32 $0x80;
	_ =	swait.ge [sflag:s4], $0x2000  }
0x39: {  	s15 =	simm.s32 $0x2480;
	s12 =	sadd.s32 s12, s7;
	[sflag:s4] =	ssyncset.done $0x0  }
0x3a: {  	s16 =	sadd.s32 $0x0, s12;
	s13 =	simm.s32 $0x2080;
	[sflag:s4] =	ssyncadd.s32 $0xFFFFE000  }
.LBB2_7:
0x3b: {  	[hbm:s16] =	stream.linear.scatter [tilespmem:s13], [sflag:$0x3], $0x400, $0x38;
	[tilespmem:$0x4080] =	vst v63  }
0x3c: {  	s16 =	smov.u32 s14;
	s13 =	smov.u32 s15;
	p0 =	sne.s32 s14, $0x380  }
.Ltmp5:
0x3d: {  	s14 =	sadd.s32 $0x80, s14;
	(pc) =	sbr.rel @p0 .LBB2_7-.Ltmp5, $2  }
0x3e: {  	_ =	sdelay $0x2  }
0x3f: {  	s15 =	sadd.s32 $0x400, s15;
	s16 =	sadd.s32 s16, s12  }
.Ltmp6:
0x40: {  	(pc) =	sbr.rel .LBB2_9-.Ltmp6, $2  }
0x41: {  	_ =	sdelay $0x2  }
0x42: {  	[hbm:s16] =	stream.linear.scatter [tilespmem:s13], [sflag:$0x3], $0x400, $0x38;
	[tilespmem:$0x4080] =	vst v63  }
.LBB2_2:
.Ltmp7:
0x43: {  	(pc) =	sbr.rel .LBB2_10-.Ltmp7, $4  }
0x44: {  	_ = 	snop  }
0x45: {  	s12 =	sshrl.u32 s11, $0x3  }
0x46: {  	s13 =	sand.u32 $0x7, s11;
	s12 =	sadd.s32 s3, s12  }
0x47: {  	[tilespmem:s9], [sflag:$0x2] =	stream.linear.gather [hbm4b:s12+s13], $0x40, $0x38;
	[tilespmem:$0x4080] =	vst v63  }
.LBB2_11:
0x48: {  	s2 =	simm.s32 $0x3  }
0x49: {  	_ =	swait.ge [sflag:s2], $0x2000  }
0x4a: {  	[sflag:s2] =	ssyncset.done $0x0  }
0x4b: {  	[sflag:s2] =	ssyncadd.s32 $0xFFFFE000  }
0x4c: {  	_ =	sfence.sel $0x180000  }
0x4d: {  	s3 =	simm.s32 $0x2;
	[bflag:$0x0] =	sbarrier.arrive $0xFFFF  }
0x4e: {  	[sflag:s3] =	ssyncpa.u1 $0x1  }
0x4f: {  	s31 =	simm.s32 $0x1;
	[sflag:s2] =	ssyncpa.u1 $0x1  }
0x50: {  	[sflag:s31] =	ssyncpa.u1 $0x1  }
0x51: {  	p0 =	sne.s32 s1, $0x0;
	_ =	strace $0x9000004A  }
0x52: {  	s0 =	sadd.s32 @!p0 $0x100000, s0;
	[bflag:$0x2] =	sbarrier.arrive $0xFFFF  }
0x53: {  	[sflag:s0] =	ssyncadd.tile.s32 @!p0 $0x1;
	_ =	shalt  }
.Lfunc_end2:
_tile_overlayer_lowered:
.L_overlay_start_2:
0x54: {  	(tag) =	ssettag $0x2  }
0x55: {  	s0 =	rddreg [dreg:$0x0];
	s2 =	stileid.u32  }
0x56: {  	s1 =	rddreg [dreg:$0x1];
	p0 =	sne.s32 s2, $0x0  }
0x57: {  	s3 =	rddreg [dreg:$0x2];
	[bflag:$0x3] =	sbarrier.arrive $0xFFFF;
	s2 =	simm.s32 @!p0 $0x1C01  }
0x58: {  	[timem:s3], [sflag:s2] =	dma.local @!p0 [hbm:s0], s1  }
0x59: {  	s0 =	simm.s32 @!p0 $0x1  }
0x5a: {  	_ =	swait.ge @!p0 [sflag:s0], s1  }
0x5b: {  	s1 =	ssub.s32 @!p0 $0x0, s1;
	[sflag:s0] =	ssyncset.done @!p0 $0x0  }
0x5c: {  	[sflag:s0] =	ssyncadd.s32 @!p0 s1  }
0x5d: {  	[bflag:$0x3] =	sbarrier.arrive $0xFFFF  }
0x5e: {  	_ =	shalt  }

// kernel: kernel.4.cloned.1.call-start
scs
__scs_entry_jumppad:
0x0: {  	(pc) =	sbr.rel $0x88, $3  }
0x1: {  	(tag) =	ssettag $0x0;
	lr =	simm.s32 $0x1  }
0x2: {  	[smem:$0x3F9F] =	sst lr;
	_ =	strace $0xD0000000  }
0x3: {  	_ = 	snop  }
0x4: {  	_ = 	snop  }
0x5: {  	_ = 	snop  }
0x6: {  	_ = 	snop  }
0x7: {  	_ = 	snop  }
__scs_overlays_trampoline_lowered:
0x8: {  	[smem:$0x3FAE] =	sst s0  }
0x9: {  	[smem:$0x3FAF] =	sst s1  }
0xa: {  	[smem:$0x3FB0] =	sst s2  }
0xb: {  	[smem:$0x3FB1] =	sst s3  }
0xc: {  	[smem:$0x3FB2] =	sst s4  }
0xd: {  	[smem:$0x3FB3] =	sst s5  }
0xe: {  	[smem:$0x3FB4] =	sst s6  }
0xf: {  	[smem:$0x3FB5] =	sst s7  }
0x10: {  	[smem:$0x3FB6] =	sst s8  }
0x11: {  	[smem:$0x3FB7] =	sst s9;
	s0 =	simm.s32 @!p0 $0x0  }
0x12: {  	s1 =	sld [smem:$0x3F9D];
	s0 =	simm.s32 @p0 $0x1  }
0x13: {  	[smem:$0x3FB8] =	sst s0;
	s0 =	simm.s32 @!p1 $0x0  }
0x14: {  	s2 =	sld [smem:$0x3F9C];
	s0 =	simm.s32 @p1 $0x1  }
0x15: {  	[smem:$0x3FB9] =	sst s0;
	s0 =	simm.s32 @!p2 $0x0  }
0x16: {  	s3 =	sld [smem:$0x3FDB];
	s0 =	simm.s32 @p2 $0x1  }
0x17: {  	s4 =	simm.s32 $0x1BF5;
	[smem:$0x3FBB] =	sst s0  }
0x18: {  	s0 =	sld [smem:$0x3F9E];
	_ =	swait.ge [sflag:s4], $0x0  }
0x19: {  	s7 =	sld [smem:$0x3F9F]  }
0x1a: {  	s8 =	sadd.s32 $0xFFFFE003, lr  }
0x1b: {  	s9 =	sadd.s32 $0xFFFFFEF7, lr;
	s5 =	simm.s32 $0xFFFFFFFF;
	p2 =	slt.u32 s8, $0xFFFFF086  }
0x1c: {  	p1 =	slt.u32 s9, $0xF7A;
	s5 =	simm.s32 @!p2 $0x0  }
0x1d: {  	s5 =	simm.s32 @p1 $0x1;
	p0 =	seq.s32 s7, s2  }
0x1e: {  	s7 =	smul.u32 @!p0 $0xF7A, s2;
	p2 =	seq.s32 @!p0 s5, $0x0  }
0x1f: {  	s9 =	smul.u32 $0xF7A, s1;
	s8 =	simm.s32 @!p0 $0x1BF5;
	p2 =	por !p2, p0  }
0x20: {  	[sflag:s8] =	ssyncset.s32 @!p0 $0xFFFFF086;
	s6 =	sadd.s32 @!p0 s3, s7;
	s7 =	simm.s32 @!p0 $0x108  }
0x21: {  	s3 =	sadd.s32 s3, s9;
	s6 =	sadd.s32 @!p0 $0x88, s6;
	s7 =	simm.s32 @p2 $0x1082  }
0x22: {  	[simem:s7], [sflag:s8] =	dma.local @!p0 [hbm:s6], $0xF7A  }
0x23: {  	s9 =	sor.u32 $0xD0000000, s2;
	s6 =	simm.s32 $0x108;
	_ =	swait.ge @!p0 [sflag:s8], $0x0  }
0x24: {  	s3 =	sadd.s32 $0x88, s3;
	s6 =	simm.s32 @!p1 $0x1082;
	[sflag:s4] =	ssyncset.s32 $0xFFFFF086  }
0x25: {  	[simem:s6], [sflag:s4] =	dma.local [hbm:s3], $0xF7A  }
0x26: {  	[smem:$0x3F9F] =	sst s1;
	(tag) =	ssettag s2;
	_ =	strace s9  }
0x27: {  	s1 =	sld [smem:$0x3FAF]  }
0x28: {  	s2 =	sld [smem:$0x3FB0]  }
0x29: {  	s4 =	sld [smem:$0x3FB2]  }
0x2a: {  	p0 =	seq.s32 s5, $0x0;
	s5 =	sld [smem:$0x3FB3]  }
0x2b: {  	s6 =	sld [smem:$0x3FB4]  }
0x2c: {  	s7 =	sld [smem:$0x3FB5]  }
0x2d: {  	s3 =	simm.s32 $0x108;
	s8 =	sld [smem:$0x3FB6]  }
0x2e: {  	s3 =	simm.s32 @!p0 $0x1082;
	s9 =	sld [smem:$0x3FB7]  }
0x2f: {  	lr =	sadd.s32 s0, s3;
	s0 =	sld [smem:$0x3FAE]  }
0x30: {  	s3 =	sld [smem:$0x3FB1]  }
0x31: {  	[smem:$0x3FBA] =	sst s10  }
0x32: {  	s10 =	sld [smem:$0x3FB8];
	_ =	sdelay $0x3  }
0x33: {  	p0 =	seq.s32 s10, $0x1;
	s10 =	sld [smem:$0x3FBA];
	_ =	sdelay $0x3  }
0x34: {  	[smem:$0x3FBA] =	sst s10  }
0x35: {  	s10 =	sld [smem:$0x3FB9];
	_ =	sdelay $0x3  }
0x36: {  	p1 =	seq.s32 s10, $0x1;
	s10 =	sld [smem:$0x3FBA];
	_ =	sdelay $0x3  }
0x37: {  	[smem:$0x3FBA] =	sst s10  }
0x38: {  	s10 =	sld [smem:$0x3FBB]  }
0x39: {  	_ = 	snop;
	(pc) =	sbr.ind lr, $3  }
0x3a: {  	_ = 	snop  }
0x3b: {  	_ = 	snop  }
0x3c: {  	p2 =	seq.s32 s10, $0x1;
	s10 =	sld [smem:$0x3FBA]  }
0x3d: {  	_ =	shalt  }
0x3e: {  	_ =	shalt  }
0x3f: {  	_ =	shalt  }
0x40: {  	_ =	shalt  }
0x41: {  	_ =	shalt  }
0x42: {  	_ =	shalt  }
0x43: {  	_ =	shalt  }
0x44: {  	_ =	shalt  }
0x45: {  	_ =	shalt  }
0x46: {  	_ =	shalt  }
0x47: {  	_ =	shalt  }
0x48: {  	_ =	shalt  }
0x49: {  	_ =	shalt  }
0x4a: {  	_ =	shalt  }
0x4b: {  	_ =	shalt  }
0x4c: {  	_ =	shalt  }
0x4d: {  	_ =	shalt  }
0x4e: {  	_ =	shalt  }
0x4f: {  	_ =	shalt  }
0x50: {  	_ =	shalt  }
0x51: {  	_ =	shalt  }
0x52: {  	_ =	shalt  }
0x53: {  	_ =	shalt  }
0x54: {  	_ =	shalt  }
0x55: {  	_ =	shalt  }
0x56: {  	_ =	shalt  }
0x57: {  	_ =	shalt  }
0x58: {  	_ =	shalt  }
0x59: {  	_ =	shalt  }
0x5a: {  	_ =	shalt  }
0x5b: {  	_ =	shalt  }
0x5c: {  	_ =	shalt  }
0x5d: {  	_ =	shalt  }
0x5e: {  	_ =	shalt  }
0x5f: {  	_ =	shalt  }
0x60: {  	_ =	shalt  }
0x61: {  	_ =	shalt  }
0x62: {  	_ =	shalt  }
0x63: {  	_ =	shalt  }
0x64: {  	_ =	shalt  }
0x65: {  	_ =	shalt  }
0x66: {  	_ =	shalt  }
0x67: {  	_ =	shalt  }
0x68: {  	_ =	shalt  }
0x69: {  	_ =	shalt  }
0x6a: {  	_ =	shalt  }
0x6b: {  	_ =	shalt  }
0x6c: {  	_ =	shalt  }
0x6d: {  	_ =	shalt  }
0x6e: {  	_ =	shalt  }
0x6f: {  	_ =	shalt  }
0x70: {  	_ =	shalt  }
0x71: {  	_ =	shalt  }
0x72: {  	_ =	shalt  }
0x73: {  	_ =	shalt  }
0x74: {  	_ =	shalt  }
0x75: {  	_ =	shalt  }
0x76: {  	_ =	shalt  }
0x77: {  	_ =	shalt  }
0x78: {  	_ =	shalt  }
0x79: {  	_ =	shalt  }
0x7a: {  	_ =	shalt  }
0x7b: {  	_ =	shalt  }
0x7c: {  	_ =	shalt  }
0x7d: {  	_ =	shalt  }
0x7e: {  	_ =	shalt  }
0x7f: {  	_ =	shalt  }
0x80: {  	_ =	shalt  }
0x81: {  	_ =	shalt  }
0x82: {  	_ =	shalt  }
0x83: {  	_ =	shalt  }
0x84: {  	_ =	shalt  }
0x85: {  	_ =	shalt  }
0x86: {  	_ =	shalt  }
0x87: {  	_ =	shalt  }
.Lfunc_end0:
.L_simem_size_0:
called_computation.1_lowered:
.L_overlay_start_0:
0x88: {  	s2 =	sld [smem:$0x3FD9]  }
0x89: {  	s3 =	sld [smem:$0x3FFE];
	_ =	sdelay $0x1  }
0x8a: {  	s1 =	srdreg.scid  }
0x8b: {  	s0 =	sand.u32 $0x1, s1  }
0x8c: {  	s16 =	sshll.u32 s0, $0xA;
	s2 =	sadd.s32 s3, s2  }
0x8d: {  	s2 =	sadd.s32 s2, s16  }
0x8e: {  	[smem:$0x3FC6] =	sst s2  }
0x8f: {  	_ = 	snop  }
0x90: {  	(tm) =	ssettm $0x1  }
0x91: {  	s17 =	sld [smem:$0x3FFB];
	_ =	sdelay $0x3  }
0x92: {  	_ =	strace s17  }
0x93: {  	s2 =	sld [smem:$0x3FFC];
	_ =	sdelay $0x3  }
0x94: {  	_ =	strace s2  }
0x95: {  	s2 =	sld [smem:$0x3FFD];
	_ =	sdelay $0x3  }
0x96: {  	_ =	strace s2  }
0x97: {  	_ =	strace $0x8FFFFFFF  }
0x98: {  	s18 =	sld [smem:$0x3FDB];
	_ =	sdelay $0x1  }
0x99: {  	s19 =	simm.s32 $_scs_section_size  }
0x9a: {  	s4 =	simm.s32 $_size__tile_overlayer_lowered;
	s5 =	simm.s32 $_tile_overlayer_lowered  }
0x9b: {  	s22 =	simm.s32 $0x1BFF;
	s21 =	sshll.u32 s5, $0x1;
	s2 =	sadd.s32 s19, s18  }
0x9c: {  	s6 =	simm.s32 $0x0;
	s20 =	sshll.u32 s4, $0x1;
	s4 =	sadd.s32 s21, s2  }
0x9d: {  	[timem:s6], [sflag:s22] =	dma.local [hbm:s4], s20  }
0x9e: {  	_ =	swait.ge [sflag:s22], s20  }
0x9f: {  	s3 =	ssub.s32 $0x0, s20;
	[sflag:s22] =	ssyncset.done $0x0  }
0xa0: {  	[sflag:s22] =	ssyncadd.s32 s3;
	_ =	sdelay $0x1  }
0xa1: {  	s23 =	simm.s32 $0x1B8B  }
0xa2: {  	_ =	swait.ge [sflag:s23], $0x1  }
0xa3: {  	[sflag:s23] =	ssyncset.done $0x0  }
0xa4: {  	s25 =	simm.s32 $0x1B8E;
	s24 =	sld [smem:$0x3FFE];
	[sflag:s23] =	ssyncadd.s32 $0xFFFFFFFF  }
0xa5: {  	s26 =	simm.s32 $execute0_lowered;
	[smem:$0x3FD2] =	sst s25  }
0xa6: {  	s4 =	sshll.u32 s26, $0x1;
	_ =	strace $0x80000046;
	[dreg:$0x1] =	wrdreg $0xFFFFFFFF  }
0xa7: {  	s28 =	simm.s32 $_size_execute0_lowered;
	s2 =	sadd.s32 s2, s4;
	[dreg:$0x0] =	wrdreg $0x0  }
0xa8: {  	s4 =	sshll.u32 s28, $0x1;
	[dreg:$0x2] =	wrdreg s2  }
0xa9: {  	[dreg:$0x3] =	wrdreg s4  }
0xaa: {  	[dreg:$0x4] =	wrdreg $0xC0  }
0xab: {  	_ =	task [dreg:s6], $0x5FFFF  }
0xac: {  	[dreg:$0x1] =	wrdreg $0xFFFFFFFF  }
0xad: {  	[dreg:$0x0] =	wrdreg $0x60  }
0xae: {  	[dreg:$0x2] =	wrdreg s24  }
0xaf: {  	[dreg:$0x3] =	wrdreg $0x9  }
0xb0: {  	_ =	task.clear_ibuf [dreg:s6], $0x4FFFF;
	_ =	strace $0x90000046  }
0xb1: {  	s29 =	simm.s32 $0x9;
	_ =	strace $0x80000048  }
0xb2: {  	_ =	swait.ge [sflag:s29], $0x1  }
0xb3: {  	[sflag:s29] =	ssyncadd.s32 $0xFFFFFFFF  }
0xb4: {  	_ =	strace $0x90000048  }
0xb5: {  	_ =	sfence  }
0xb6: {  	s30 =	sld [smem:$0x0];
	_ =	sdelay $0x2  }
0xb7: {  	s31 =	sshll.u32 s1, $0xD;
	s1 =	sshrl.u32 s1, $0x2  }
0xb8: {  	s3 =	sand.u32 $0x4000, s31;
	s1 =	sadd.s32 s1, s30  }
0xb9: {  	s0 =	sor.u32 s3, s0;
	s1 =	sshll.u32 s1, $0x11  }
0xba: {  	s0 =	sor.u32 s1, s0  }
0xbb: {  	s0 =	sadd.s32 $0x8F2B, s0  }
0xbc: {  	[sflag:s0] =	ssyncadd.remote.s32 $0x1  }
0xbd: {  	_ =	sfence.sel $0xFFFF  }
0xbe: {  	[dreg:$0x0] =	wrdreg $0xFFFFFFFF;
	(pc) =	sbr.abs _section_cstart, $3  }
0xbf: {  	[dreg:$0x1] =	wrdreg $0xFFFFFFFF  }
0xc0: {  	_ =	task.clear_ibuf [dreg:s6], $0x2FFFF;
	_ =	strace $0x9FFFFFFF  }
0xc1: {  	(tm) =	ssettm $0x7FFFFFFF  }
tec
execute0_lowered:
.L_overlay_start_1:
0x0: {  	(tag) =	ssettag $0x1  }
0x1: {  	s1 =	srdreg.scid  }
0x2: {  	s0 =	stileid.u32;
	s4 =	rddreg [dreg:$0x0]  }
0x3: {  	s2 =	simm.s32 $0x0;
	s3 =	sand.u32 $0x1, s1;
	s29 =	sshll.u32 s0, $0x1  }
0x4: {  	s9 =	simm.s32 $0x1;
	s10 =	simm.s32 $0x280;
	s1 =	sor.u32 s3, s29  }
0x5: {  	s11 =	simm.s32 $0x500;
	s12 =	simm.s32 $0x780;
	s5 =	smul.u32 $0x280, s1  }
0x6: {  	s13 =	simm.s32 $0xA00;
	s14 =	simm.s32 $0x0;
	s6 =	ssub.s32 $0x2, s3  }
0x7: {  	[smem:$0x7FF] =	sst s2;
	s31 =	sshrl.u32 s6, $0x1;
	s30 =	sshrl.u32 s5, $0x3  }
0x8: {  	s1 =	rddreg [dreg:$0x1];
	s8 =	ssub.s32 s6, s31;
	s3 =	sadd.s32 s4, s30  }
0x9: {  	_ =	strace $0x80000047;
	s8 =	smax.u32 s8, $0x1;
	s4 =	sadd.s32 $0xA00, s3  }
0xa: {  	v0 =	vimm.f32 $2.000000000e+00;
	s5 =	sadd.s32 $0x1400, s3;
	s6 =	sadd.s32 $0x2800, s3;
	s7 =	sadd.s32 $0x1E00, s3  }
.LBB2_1:
0xb: {  	[tilespmem:s2], [sflag:$0x1] =	stream.linear.gather [hbm4b:s3+s2], $0x280, $0x38;
	[tilespmem:$0xC80] =	vst v63  }
0xc: {  	_ =	swait.ge [sflag:s9], $0x280  }
0xd: {  	[sflag:s9] =	ssyncset.done $0x0  }
0xe: {  	[sflag:s9] =	ssyncadd.s32 $0xFFFFFD80  }
0xf: {  	[tilespmem:s10], [sflag:$0x1] =	stream.linear.gather [hbm4b:s4+s2], $0x280, $0x38;
	[tilespmem:$0xC80] =	vst v63  }
0x10: {  	_ =	swait.ge [sflag:s9], $0x280  }
0x11: {  	[sflag:s9] =	ssyncset.done $0x0  }
0x12: {  	[sflag:s9] =	ssyncadd.s32 $0xFFFFFD80  }
0x13: {  	[tilespmem:s11], [sflag:$0x1] =	stream.linear.gather [hbm4b:s5+s2], $0x280, $0x38;
	[tilespmem:$0xC80] =	vst v63  }
0x14: {  	_ =	swait.ge [sflag:s9], $0x280  }
0x15: {  	[sflag:s9] =	ssyncset.done $0x0  }
0x16: {  	s16 =	simm.s32 $0x0;
	[sflag:s9] =	ssyncadd.s32 $0xFFFFFD80  }
0x17: {  	v4 =	vld [tilespmem:s16+$0x0]  }
0x18: {  	v3 =	vld [tilespmem:s16+$0x280]  }
0x19: {  	v2 =	vld [tilespmem:s16+$0x500];
	_ =	sdelay $0x2  }
0x1a: {  	s15 =	simm.s32 $0x10  }
0x1b: {  	v1 =	vld [tilespmem:s15+$0x0];
	v5 =	vmax.f32 v4, v3  }
0x1c: {  	v5 =	vmax.f32 v5, v2;
	v2 =	vld [tilespmem:s15+$0x280]  }
0x1d: {  	vm0 =	veq.f32 v3, v5;
	v3 =	vld [tilespmem:s15+$0x500]  }
0x1e: {  	vm1 =	veq.f32 v4, v5;
	v4 =	vsel vm0, $0x3F800000, v0  }
0x1f: {  	s17 =	simm.s32 $0x80;
	[tilespmem:s16+$0x780] =	vst v5;
	v4 =	vsel vm1, $0x0, v4  }
.LBB2_2:
0x20: {  	[tilespmem:s16+$0xA00] =	vst v4;
	v4 =	vmov v1;
	s16 =	smov.u32 s15;
	s15 =	sshra.s32 s17, $0x2;
	p0 =	sne.s32 s17, $0x9C0  }
.Ltmp0:
0x21: {  	s17 =	sadd.s32 $0x40, s17;
	v1 =	vld [tilespmem:s15+$0x0];
	v5 =	vmax.f32 v4, v2;
	v6 =	vmov v2;
	(pc) =	sbr.rel @p0 .LBB2_2-.Ltmp0, $4  }
0x22: {  	v2 =	vld [tilespmem:s15+$0x280];
	v5 =	vmax.f32 v5, v3  }
0x23: {  	v3 =	vld [tilespmem:s15+$0x500];
	vm0 =	veq.f32 v6, v5;
	[tilespmem:s16+$0x780] =	vst v5  }
0x24: {  	vm1 =	veq.f32 v4, v5;
	v4 =	vsel vm0, $0x3F800000, v0  }
0x25: {  	v4 =	vsel vm1, $0x0, v4  }
0x26: {  	_ = 	snop  }
0x27: {  	v5 =	vmax.f32 v1, v2  }
0x28: {  	v3 =	vmax.f32 v5, v3  }
0x29: {  	vm0 =	veq.f32 v2, v3  }
0x2a: {  	[tilespmem:s16+$0xA00] =	vst v4;
	vm1 =	veq.f32 v1, v3;
	v1 =	vsel vm0, $0x3F800000, v0  }
0x2b: {  	[tilespmem:s15+$0x780] =	vst v3;
	v1 =	vsel vm1, $0x0, v1  }
0x2c: {  	[tilespmem:s15+$0xA00] =	vst v1  }
0x2d: {  	[hbm4b:s6+s2] =	stream.linear.scatter [tilespmem:s12], [sflag:$0x1], $0x280, $0x38;
	[tilespmem:$0xC80] =	vst v63  }
0x2e: {  	s14 =	sadd.s32 $0x1, s14;
	_ =	swait.ge [sflag:s9], $0x280  }
0x2f: {  	p0 =	sne.s32 s14, s8;
	[sflag:s9] =	ssyncset.done $0x0  }
.Ltmp1:
0x30: {  	[sflag:s9] =	ssyncadd.s32 $0xFFFFFD80;
	(pc) =	sbr.rel @p0 .LBB2_1-.Ltmp1, $4  }
0x31: {  	[hbm4b:s7+s2] =	stream.linear.scatter [tilespmem:s13], [sflag:$0x1], $0x280, $0x38;
	[tilespmem:$0xC80] =	vst v63  }
0x32: {  	_ =	swait.ge [sflag:s9], $0x280  }
0x33: {  	[sflag:s9] =	ssyncset.done $0x0  }
0x34: {  	[sflag:s9] =	ssyncadd.s32 $0xFFFFFD80  }
0x35: {  	_ =	sfence.sel $0x180000  }
0x36: {  	[bflag:$0x0] =	sbarrier.arrive $0xFFFF  }
0x37: {  	p0 =	sne.s32 s0, $0x0;
	_ =	strace $0x90000047  }
0x38: {  	s0 =	sadd.s32 @!p0 $0x100000, s1;
	[bflag:$0x2] =	sbarrier.arrive $0xFFFF  }
0x39: {  	[sflag:s0] =	ssyncadd.tile.s32 @!p0 $0x1;
	_ =	shalt  }
.Lfunc_end2:
_tile_overlayer_lowered:
.L_overlay_start_2:
0x3a: {  	(tag) =	ssettag $0x2  }
0x3b: {  	s0 =	rddreg [dreg:$0x0];
	s2 =	stileid.u32  }
0x3c: {  	s1 =	rddreg [dreg:$0x1];
	p0 =	sne.s32 s2, $0x0  }
0x3d: {  	s3 =	rddreg [dreg:$0x2];
	[bflag:$0x3] =	sbarrier.arrive $0xFFFF;
	s2 =	simm.s32 @!p0 $0x1C01  }
0x3e: {  	[timem:s3], [sflag:s2] =	dma.local @!p0 [hbm:s0], s1  }
0x3f: {  	s0 =	simm.s32 @!p0 $0x1  }
0x40: {  	_ =	swait.ge @!p0 [sflag:s0], s1  }
0x41: {  	s1 =	ssub.s32 @!p0 $0x0, s1;
	[sflag:s0] =	ssyncset.done @!p0 $0x0  }
0x42: {  	[sflag:s0] =	ssyncadd.s32 @!p0 s1  }
0x43: {  	[bflag:$0x3] =	sbarrier.arrive $0xFFFF  }
0x44: {  	_ =	shalt  }

</sc_bundles>
